<compile_context>
chip_gen: v7x
topology: tpu7x:2x2x1
jax: 0.10.2.dev20260603
libtpu: 0.0.44.dev20260713+nightly
codegen_flags: <defaults>
</compile_context>

<pallas_src>
import functools

import jax
import jax.numpy as jnp
from jax import lax
from jax.experimental import pallas as pl
from jax.experimental.pallas import tpu as pltpu
from jax.experimental.pallas import tpu_sc as plsc

STEP_ = 3600.0
TABLE_LEN_ = 64
BATCH_ = 16384

_info = plsc.get_sparse_core_info()
_NC, _NS, _L = _info.num_cores, _info.num_subcores, _info.num_lanes
_NC = 1
_NW = _NC * _NS
_B_PER_W = BATCH_ // _NW
_UNROLL = 4


@functools.partial(
    pl.kernel,
    mesh=plsc.VectorSubcoreMesh(
        core_axis_name="c", subcore_axis_name="s", num_cores=_NC
    ),
    out_type=jax.ShapeDtypeStruct((BATCH_,), jnp.float32),
    scratch_types=[
        pltpu.VMEM((_B_PER_W,), jnp.float32),
        pltpu.VMEM((_B_PER_W,), jnp.float32),
        pltpu.VMEM((_B_PER_W,), jnp.float32),
        pltpu.VMEM((TABLE_LEN_,), jnp.float32),
        pltpu.SemaphoreType.DMA,
        pltpu.SemaphoreType.DMA,
        pltpu.SemaphoreType.DMA,
    ],
    compiler_params=pltpu.CompilerParams(needs_layout_passes=False),
)
def _file_pressure_sc(
    t_hbm, y_hbm, table_hbm, out_hbm, t_v, y_v, o_v, tab_v, s0, s1, s2
):
    wid = lax.axis_index("s") * _NC + lax.axis_index("c")
    base = wid * _B_PER_W
    cp_t = pltpu.async_copy(t_hbm.at[pl.ds(base, _B_PER_W)], t_v, s0)
    cp_y = pltpu.async_copy(y_hbm.at[pl.ds(base, _B_PER_W)], y_v, s1)
    cp_tab = pltpu.async_copy(table_hbm, tab_v, s2)
    cp_t.wait()
    cp_y.wait()
    cp_tab.wait()

    @plsc.parallel_loop(0, _B_PER_W // _L, unroll=_UNROLL)
    def _body(i):
        sl = pl.ds(i * _L, _L)
        idx = (t_v[sl] / STEP_).astype(jnp.int32)
        pressure = plsc.load_gather(tab_v, [idx])
        o_v[sl] = (pressure - y_v[sl]) / STEP_

    pltpu.sync_copy(o_v, out_hbm.at[pl.ds(base, _B_PER_W)])


@jax.jit
def kernel(t, y, table):
    return _file_pressure_sc(t, y, table)

# --- scband reference (transcript-rebuilt; emitter-appended) ---
"""Pipeline reference for scband-file-pressure-83485574299751 (READ-ONLY COPY).

The authoritative reference and input builder live on the scoring server;
editing this copy changes nothing except your own understanding.
"""

import jax, jax.numpy as jnp
import numpy as np

TABLE_LEN = 64
STEP = 3600.0
BATCH = 16384


def setup_inputs(seed: int = 0) -> dict:
    key = jax.random.key(seed)
    k1, k2 = jax.random.split(key)
    # times in [0, TABLE_LEN*STEP) so that (t/STEP).astype(int) indexes the table in-range
    t = jax.random.uniform(k1, (BATCH,), dtype=jnp.float32, minval=0.0, maxval=TABLE_LEN * STEP - 1.0)
    # current state pressure values y[self.name]
    y = jax.random.uniform(k2, (BATCH,), dtype=jnp.float32, minval=180.0, maxval=260.0)
    # the 'array' tuple from __init__, materialized as the lookup table (pressures 200..263)
    table = jnp.asarray(np.linspace(200.0, 263.0, TABLE_LEN), dtype=jnp.float32)
    return {"t": t, "y": y, "table": table}


def reference(t, y, table):
    # index = (t / self.step).astype(int)
    index = (t / STEP).astype(jnp.int32)
    # pressure = jnp.array(self.array)[index]  -> gather from table
    pressure = jnp.take(table, index, axis=0)
    # return (pressure - y[self.name]) / self.step
    return (pressure - y) / STEP

if __name__ == "__main__":
    import jax
    _d = setup_inputs()
    print(jax.jit(kernel)(*tuple(_d.values())))

</pallas_src>

<mosaic_0001>
#map = affine_map<(d0, d1) -> (0)>
module attributes {stable_mosaic.version = 14 : i64} {
  func.func @_file_pressure_sc(%arg0: i32, %arg1: i32, %arg2: memref<16384xf32, #tpu.memory_space<hbm>>, %arg3: memref<16384xf32, #tpu.memory_space<hbm>>, %arg4: memref<64xf32, #tpu.memory_space<hbm>>, %arg5: memref<16384xf32, #tpu.memory_space<hbm>>, %arg6: memref<1024xf32, #tpu.memory_space<vmem>>, %arg7: memref<1024xf32, #tpu.memory_space<vmem>>, %arg8: memref<1024xf32, #tpu.memory_space<vmem>>, %arg9: memref<64xf32, #tpu.memory_space<vmem>>, %arg10: memref<!tpu.dma_semaphore, #tpu.memory_space<semaphore_mem>>, %arg11: memref<!tpu.dma_semaphore, #tpu.memory_space<semaphore_mem>>, %arg12: memref<!tpu.dma_semaphore, #tpu.memory_space<semaphore_mem>>) attributes {dimension_semantics = [#tpu.dimension_semantics<core_parallel>, #tpu.dimension_semantics<subcore_parallel>], iteration_bounds = array<i64: 1, 16>, scalar_prefetch = 0 : i64, scratch_operands = 7 : i64, tpu.core_type = #tpu.core_type<sc_vector_subcore>, window_params = [{transform_indices = #map}, {transform_indices = #map}, {transform_indices = #map}, {transform_indices = #map}]} {
    %mul3A = arith.constant 1 : i32
    %mul3A_0 = arith.muli %arg1, %mul3A : i32
    %add3A = arith.addi %mul3A_0, %arg0 : i32
    %mul3A_1 = arith.constant 1024 : i32
    %mul3A_2 = arith.muli %add3A, %mul3A_1 : i32
    %dma_start3A = tpu.memref_slice %arg2[%mul3A_2] : memref<16384xf32, #tpu.memory_space<hbm>> -> memref<1024xf32, #tpu.memory_space<hbm>>
    %dma_start3A_3 = tpu.memref_slice %arg2[%mul3A_2] : memref<16384xf32, #tpu.memory_space<hbm>> -> memref<1024xf32, #tpu.memory_space<hbm>>
    tpu.enqueue_dma source(%dma_start3A_3 : memref<1024xf32, #tpu.memory_space<hbm>>) target(%arg6 : memref<1024xf32, #tpu.memory_space<vmem>>) target_semaphore(%arg10 : memref<!tpu.dma_semaphore, #tpu.memory_space<semaphore_mem>>)
    %dma_start3A_4 = tpu.memref_slice %arg3[%mul3A_2] : memref<16384xf32, #tpu.memory_space<hbm>> -> memref<1024xf32, #tpu.memory_space<hbm>>
    %dma_start3A_5 = tpu.memref_slice %arg3[%mul3A_2] : memref<16384xf32, #tpu.memory_space<hbm>> -> memref<1024xf32, #tpu.memory_space<hbm>>
    tpu.enqueue_dma source(%dma_start3A_5 : memref<1024xf32, #tpu.memory_space<hbm>>) target(%arg7 : memref<1024xf32, #tpu.memory_space<vmem>>) target_semaphore(%arg11 : memref<!tpu.dma_semaphore, #tpu.memory_space<semaphore_mem>>)
    tpu.enqueue_dma source(%arg4 : memref<64xf32, #tpu.memory_space<hbm>>) target(%arg9 : memref<64xf32, #tpu.memory_space<vmem>>) target_semaphore(%arg12 : memref<!tpu.dma_semaphore, #tpu.memory_space<semaphore_mem>>)
    %dma_wait3A = tpu.memref_slice %arg2[%mul3A_2] : memref<16384xf32, #tpu.memory_space<hbm>> -> memref<1024xf32, #tpu.memory_space<hbm>>
    %dma_wait3A_6 = tpu.memref_slice %arg2[%mul3A_2] : memref<16384xf32, #tpu.memory_space<hbm>> -> memref<1024xf32, #tpu.memory_space<hbm>>
    tpu.wait_dma2 semaphore(%arg10 : memref<!tpu.dma_semaphore, #tpu.memory_space<semaphore_mem>>) src(%dma_wait3A_6 : memref<1024xf32, #tpu.memory_space<hbm>>) dst(%arg6 : memref<1024xf32, #tpu.memory_space<vmem>>)
    %dma_wait3A_7 = tpu.memref_slice %arg3[%mul3A_2] : memref<16384xf32, #tpu.memory_space<hbm>> -> memref<1024xf32, #tpu.memory_space<hbm>>
    %dma_wait3A_8 = tpu.memref_slice %arg3[%mul3A_2] : memref<16384xf32, #tpu.memory_space<hbm>> -> memref<1024xf32, #tpu.memory_space<hbm>>
    tpu.wait_dma2 semaphore(%arg11 : memref<!tpu.dma_semaphore, #tpu.memory_space<semaphore_mem>>) src(%dma_wait3A_8 : memref<1024xf32, #tpu.memory_space<hbm>>) dst(%arg7 : memref<1024xf32, #tpu.memory_space<vmem>>)
    tpu.wait_dma2 semaphore(%arg12 : memref<!tpu.dma_semaphore, #tpu.memory_space<semaphore_mem>>) src(%arg4 : memref<64xf32, #tpu.memory_space<hbm>>) dst(%arg9 : memref<64xf32, #tpu.memory_space<vmem>>)
    %parallel_loop3A = arith.constant 0 : i32
    %parallel_loop3A_9 = arith.constant 64 : i32
    %parallel_loop3A_10 = arith.constant 1 : i32
    scf.for %parallel_loop3A_11 = %parallel_loop3A to %parallel_loop3A_9 step %parallel_loop3A_10  : i32 {
      %parallel_loop3A_12 = arith.constant 16 : i32
      %parallel_loop3A_13 = arith.muli %parallel_loop3A_11, %parallel_loop3A_12 : i32
      %parallel_loop3A_14 = arith.index_cast %parallel_loop3A_13 : i32 to index
      %parallel_loop3A_15 = tpu.vector_load %arg6[%parallel_loop3A_14] {strides = array<i32>} : memref<1024xf32, #tpu.memory_space<vmem>>, vector<16xf32>,
      %parallel_loop3A_16 = arith.constant 3.600000e+03 : f32
      %parallel_loop3A_17 = vector.broadcast %parallel_loop3A_16 : f32 to vector<16xf32>
      %parallel_loop3A_18 = arith.divf %parallel_loop3A_15, %parallel_loop3A_17 : vector<16xf32>
      %parallel_loop3A_19 = arith.fptosi %parallel_loop3A_18 : vector<16xf32> to vector<16xi32>
      %parallel_loop3A_20 = tpu.vector_load_idx %arg9[%parallel_loop3A_19] : memref<64xf32, #tpu.memory_space<vmem>>[vector<16xi32>], vector<16xf32>,
      %parallel_loop3A_21 = arith.index_cast %parallel_loop3A_13 : i32 to index
      %parallel_loop3A_22 = tpu.vector_load %arg7[%parallel_loop3A_21] {strides = array<i32>} : memref<1024xf32, #tpu.memory_space<vmem>>, vector<16xf32>,
      %parallel_loop3A_23 = arith.subf %parallel_loop3A_20, %parallel_loop3A_22 : vector<16xf32>
      %parallel_loop3A_24 = arith.constant 3.600000e+03 : f32
      %parallel_loop3A_25 = vector.broadcast %parallel_loop3A_24 : f32 to vector<16xf32>
      %parallel_loop3A_26 = arith.divf %parallel_loop3A_23, %parallel_loop3A_25 : vector<16xf32>
      %parallel_loop3A_27 = arith.index_cast %parallel_loop3A_13 : i32 to index
      %parallel_loop3A_28 = tpu.vector_load %arg8[%parallel_loop3A_27] {strides = array<i32>} : memref<1024xf32, #tpu.memory_space<vmem>>, vector<16xf32>,
      tpu.vector_store %arg8[%parallel_loop3A_27], %parallel_loop3A_26 {strides = array<i32>} : memref<1024xf32, #tpu.memory_space<vmem>>, vector<16xf32>,
    } {sc.loop_unroll_factor = 4 : i64, sc.parallel_access}
    "tpu.region"() ({
      %run_scoped3A = tpu.sem_alloc : memref<!tpu.dma_semaphore, #tpu.memory_space<semaphore_mem>>
      %dma_start3A_11 = tpu.memref_slice %arg5[%mul3A_2] : memref<16384xf32, #tpu.memory_space<hbm>> -> memref<1024xf32, #tpu.memory_space<hbm>>
      %dma_start3A_12 = tpu.memref_slice %arg5[%mul3A_2] : memref<16384xf32, #tpu.memory_space<hbm>> -> memref<1024xf32, #tpu.memory_space<hbm>>
      tpu.enqueue_dma source(%arg8 : memref<1024xf32, #tpu.memory_space<vmem>>) target(%dma_start3A_12 : memref<1024xf32, #tpu.memory_space<hbm>>) target_semaphore(%run_scoped3A : memref<!tpu.dma_semaphore, #tpu.memory_space<semaphore_mem>>)
      %dma_wait3A_13 = tpu.memref_slice %arg5[%mul3A_2] : memref<16384xf32, #tpu.memory_space<hbm>> -> memref<1024xf32, #tpu.memory_space<hbm>>
      %dma_wait3A_14 = tpu.memref_slice %arg5[%mul3A_2] : memref<16384xf32, #tpu.memory_space<hbm>> -> memref<1024xf32, #tpu.memory_space<hbm>>
      tpu.wait_dma2 semaphore(%run_scoped3A : memref<!tpu.dma_semaphore, #tpu.memory_space<semaphore_mem>>) src(%arg8 : memref<1024xf32, #tpu.memory_space<vmem>>) dst(%dma_wait3A_14 : memref<1024xf32, #tpu.memory_space<hbm>>)
      tpu.yield
    }) : () -> ()
    return
  }
}

</mosaic_0001>

<sc_bundles>
// kernel: kernel.3.cloned.1.call-start
scs
__scs_entry_jumppad:
0x0: {  	(pc) =	sbr.rel $0x88, $3  }
0x1: {  	(tag) =	ssettag $0x0;
	lr =	simm.s32 $0x1  }
0x2: {  	[smem:$0x3F9E] =	sst lr;
	_ =	strace $0xD0000000  }
0x3: {  	_ = 	snop  }
0x4: {  	_ = 	snop  }
0x5: {  	_ = 	snop  }
0x6: {  	_ = 	snop  }
0x7: {  	_ = 	snop  }
__scs_overlays_trampoline_lowered:
0x8: {  	[smem:$0x3FAD] =	sst s0  }
0x9: {  	[smem:$0x3FAE] =	sst s1  }
0xa: {  	[smem:$0x3FAF] =	sst s2  }
0xb: {  	[smem:$0x3FB0] =	sst s3  }
0xc: {  	[smem:$0x3FB1] =	sst s4  }
0xd: {  	[smem:$0x3FB2] =	sst s5  }
0xe: {  	[smem:$0x3FB3] =	sst s6  }
0xf: {  	[smem:$0x3FB4] =	sst s7  }
0x10: {  	[smem:$0x3FB5] =	sst s8  }
0x11: {  	[smem:$0x3FB6] =	sst s9;
	s0 =	simm.s32 @!p0 $0x0  }
0x12: {  	s1 =	sld [smem:$0x3F9C];
	s0 =	simm.s32 @p0 $0x1  }
0x13: {  	[smem:$0x3FB7] =	sst s0;
	s0 =	simm.s32 @!p1 $0x0  }
0x14: {  	s2 =	sld [smem:$0x3F9B];
	s0 =	simm.s32 @p1 $0x1  }
0x15: {  	[smem:$0x3FB8] =	sst s0;
	s0 =	simm.s32 @!p2 $0x0  }
0x16: {  	s3 =	sld [smem:$0x3FDB];
	s0 =	simm.s32 @p2 $0x1  }
0x17: {  	s4 =	simm.s32 $0x1BF5;
	[smem:$0x3FBA] =	sst s0  }
0x18: {  	s0 =	sld [smem:$0x3F9D];
	_ =	swait.ge [sflag:s4], $0x0  }
0x19: {  	s7 =	sld [smem:$0x3F9E]  }
0x1a: {  	s8 =	sadd.s32 $0xFFFFE003, lr  }
0x1b: {  	s9 =	sadd.s32 $0xFFFFFEF7, lr;
	s5 =	simm.s32 $0xFFFFFFFF;
	p2 =	slt.u32 s8, $0xFFFFF086  }
0x1c: {  	p1 =	slt.u32 s9, $0xF7A;
	s5 =	simm.s32 @!p2 $0x0  }
0x1d: {  	s5 =	simm.s32 @p1 $0x1;
	p0 =	seq.s32 s7, s2  }
0x1e: {  	s7 =	smul.u32 @!p0 $0xF7A, s2;
	p2 =	seq.s32 @!p0 s5, $0x0  }
0x1f: {  	s9 =	smul.u32 $0xF7A, s1;
	s8 =	simm.s32 @!p0 $0x1BF5;
	p2 =	por !p2, p0  }
0x20: {  	[sflag:s8] =	ssyncset.s32 @!p0 $0xFFFFF086;
	s6 =	sadd.s32 @!p0 s3, s7;
	s7 =	simm.s32 @!p0 $0x108  }
0x21: {  	s3 =	sadd.s32 s3, s9;
	s6 =	sadd.s32 @!p0 $0x88, s6;
	s7 =	simm.s32 @p2 $0x1082  }
0x22: {  	[simem:s7], [sflag:s8] =	dma.local @!p0 [hbm:s6], $0xF7A  }
0x23: {  	s9 =	sor.u32 $0xD0000000, s2;
	s6 =	simm.s32 $0x108;
	_ =	swait.ge @!p0 [sflag:s8], $0x0  }
0x24: {  	s3 =	sadd.s32 $0x88, s3;
	s6 =	simm.s32 @!p1 $0x1082;
	[sflag:s4] =	ssyncset.s32 $0xFFFFF086  }
0x25: {  	[simem:s6], [sflag:s4] =	dma.local [hbm:s3], $0xF7A  }
0x26: {  	[smem:$0x3F9E] =	sst s1;
	(tag) =	ssettag s2;
	_ =	strace s9  }
0x27: {  	s1 =	sld [smem:$0x3FAE]  }
0x28: {  	s2 =	sld [smem:$0x3FAF]  }
0x29: {  	s4 =	sld [smem:$0x3FB1]  }
0x2a: {  	p0 =	seq.s32 s5, $0x0;
	s5 =	sld [smem:$0x3FB2]  }
0x2b: {  	s6 =	sld [smem:$0x3FB3]  }
0x2c: {  	s7 =	sld [smem:$0x3FB4]  }
0x2d: {  	s3 =	simm.s32 $0x108;
	s8 =	sld [smem:$0x3FB5]  }
0x2e: {  	s3 =	simm.s32 @!p0 $0x1082;
	s9 =	sld [smem:$0x3FB6]  }
0x2f: {  	lr =	sadd.s32 s0, s3;
	s0 =	sld [smem:$0x3FAD]  }
0x30: {  	s3 =	sld [smem:$0x3FB0]  }
0x31: {  	[smem:$0x3FB9] =	sst s10  }
0x32: {  	s10 =	sld [smem:$0x3FB7];
	_ =	sdelay $0x3  }
0x33: {  	p0 =	seq.s32 s10, $0x1;
	s10 =	sld [smem:$0x3FB9];
	_ =	sdelay $0x3  }
0x34: {  	[smem:$0x3FB9] =	sst s10  }
0x35: {  	s10 =	sld [smem:$0x3FB8];
	_ =	sdelay $0x3  }
0x36: {  	p1 =	seq.s32 s10, $0x1;
	s10 =	sld [smem:$0x3FB9];
	_ =	sdelay $0x3  }
0x37: {  	[smem:$0x3FB9] =	sst s10  }
0x38: {  	s10 =	sld [smem:$0x3FBA]  }
0x39: {  	_ = 	snop;
	(pc) =	sbr.ind lr, $3  }
0x3a: {  	_ = 	snop  }
0x3b: {  	_ = 	snop  }
0x3c: {  	p2 =	seq.s32 s10, $0x1;
	s10 =	sld [smem:$0x3FB9]  }
0x3d: {  	_ =	shalt  }
0x3e: {  	_ =	shalt  }
0x3f: {  	_ =	shalt  }
0x40: {  	_ =	shalt  }
0x41: {  	_ =	shalt  }
0x42: {  	_ =	shalt  }
0x43: {  	_ =	shalt  }
0x44: {  	_ =	shalt  }
0x45: {  	_ =	shalt  }
0x46: {  	_ =	shalt  }
0x47: {  	_ =	shalt  }
0x48: {  	_ =	shalt  }
0x49: {  	_ =	shalt  }
0x4a: {  	_ =	shalt  }
0x4b: {  	_ =	shalt  }
0x4c: {  	_ =	shalt  }
0x4d: {  	_ =	shalt  }
0x4e: {  	_ =	shalt  }
0x4f: {  	_ =	shalt  }
0x50: {  	_ =	shalt  }
0x51: {  	_ =	shalt  }
0x52: {  	_ =	shalt  }
0x53: {  	_ =	shalt  }
0x54: {  	_ =	shalt  }
0x55: {  	_ =	shalt  }
0x56: {  	_ =	shalt  }
0x57: {  	_ =	shalt  }
0x58: {  	_ =	shalt  }
0x59: {  	_ =	shalt  }
0x5a: {  	_ =	shalt  }
0x5b: {  	_ =	shalt  }
0x5c: {  	_ =	shalt  }
0x5d: {  	_ =	shalt  }
0x5e: {  	_ =	shalt  }
0x5f: {  	_ =	shalt  }
0x60: {  	_ =	shalt  }
0x61: {  	_ =	shalt  }
0x62: {  	_ =	shalt  }
0x63: {  	_ =	shalt  }
0x64: {  	_ =	shalt  }
0x65: {  	_ =	shalt  }
0x66: {  	_ =	shalt  }
0x67: {  	_ =	shalt  }
0x68: {  	_ =	shalt  }
0x69: {  	_ =	shalt  }
0x6a: {  	_ =	shalt  }
0x6b: {  	_ =	shalt  }
0x6c: {  	_ =	shalt  }
0x6d: {  	_ =	shalt  }
0x6e: {  	_ =	shalt  }
0x6f: {  	_ =	shalt  }
0x70: {  	_ =	shalt  }
0x71: {  	_ =	shalt  }
0x72: {  	_ =	shalt  }
0x73: {  	_ =	shalt  }
0x74: {  	_ =	shalt  }
0x75: {  	_ =	shalt  }
0x76: {  	_ =	shalt  }
0x77: {  	_ =	shalt  }
0x78: {  	_ =	shalt  }
0x79: {  	_ =	shalt  }
0x7a: {  	_ =	shalt  }
0x7b: {  	_ =	shalt  }
0x7c: {  	_ =	shalt  }
0x7d: {  	_ =	shalt  }
0x7e: {  	_ =	shalt  }
0x7f: {  	_ =	shalt  }
0x80: {  	_ =	shalt  }
0x81: {  	_ =	shalt  }
0x82: {  	_ =	shalt  }
0x83: {  	_ =	shalt  }
0x84: {  	_ =	shalt  }
0x85: {  	_ =	shalt  }
0x86: {  	_ =	shalt  }
0x87: {  	_ =	shalt  }
.Lfunc_end0:
.L_simem_size_0:
called_computation_lowered:
.L_overlay_start_0:
0x88: {  	s0 =	sld [smem:$0x3FD9]  }
0x89: {  	s1 =	sld [smem:$0x3FFE];
	_ =	sdelay $0x3  }
0x8a: {  	s0 =	sadd.s32 s1, s0  }
0x8b: {  	[smem:$0x3FC5] =	sst s0  }
0x8c: {  	_ = 	snop  }
0x8d: {  	s0 =	sld [smem:$0x3FC9]  }
0x8e: {  	s17 =	sld [smem:$0x3FC8]  }
0x8f: {  	s2 =	sld [smem:$0x3FC7]  }
0x90: {  	s3 =	sld [smem:$0x3FD0];
	(tm) =	ssettm $0x1  }
0x91: {  	s4 =	sld [smem:$0x3FFB];
	_ =	sdelay $0x3  }
0x92: {  	_ =	strace s4  }
0x93: {  	s4 =	sld [smem:$0x3FFC];
	_ =	sdelay $0x3  }
0x94: {  	_ =	strace s4  }
0x95: {  	s4 =	sld [smem:$0x3FFD];
	_ =	sdelay $0x3  }
0x96: {  	_ =	strace s4  }
0x97: {  	_ =	strace $0x8FFFFFFF  }
0x98: {  	s18 =	sld [smem:$0x3FDB];
	_ =	sdelay $0x1  }
0x99: {  	s5 =	simm.s32 $_scs_section_size  }
0x9a: {  	s6 =	simm.s32 $_size__tile_overlayer_lowered;
	s7 =	simm.s32 $_tile_overlayer_lowered  }
0x9b: {  	s21 =	simm.s32 $0x1BFF;
	s20 =	sshll.u32 s7, $0x1;
	s4 =	sadd.s32 s5, s18  }
0x9c: {  	s8 =	simm.s32 $0x0;
	s19 =	sshll.u32 s6, $0x1;
	s6 =	sadd.s32 s20, s4  }
0x9d: {  	[timem:s8], [sflag:s21] =	dma.local [hbm:s6], s19  }
0x9e: {  	_ =	swait.ge [sflag:s21], s19  }
0x9f: {  	s5 =	ssub.s32 $0x0, s19;
	[sflag:s21] =	ssyncset.done $0x0  }
0xa0: {  	[sflag:s21] =	ssyncadd.s32 s5;
	_ =	sdelay $0x1  }
0xa1: {  	s22 =	simm.s32 $0x1B8B  }
0xa2: {  	_ =	swait.ge [sflag:s22], $0x1  }
0xa3: {  	[sflag:s22] =	ssyncset.done $0x0  }
0xa4: {  	s23 =	simm.s32 $0x1B8E;
	[sflag:s22] =	ssyncadd.s32 $0xFFFFFFFF  }
0xa5: {  	s24 =	simm.s32 $execute0_lowered;
	[smem:$0x3FD2] =	sst s23  }
0xa6: {  	s5 =	sshll.u32 s24, $0x1;
	_ =	strace $0x80000046;
	[dreg:$0x1] =	wrdreg $0xFFFFFFFF  }
0xa7: {  	s25 =	simm.s32 $_size_execute0_lowered;
	s4 =	sadd.s32 s4, s5;
	[dreg:$0x0] =	wrdreg $0x0  }
0xa8: {  	s5 =	sshll.u32 s25, $0x1;
	[dreg:$0x2] =	wrdreg s4  }
0xa9: {  	[dreg:$0x3] =	wrdreg s5  }
0xaa: {  	[dreg:$0x4] =	wrdreg $0xC0  }
0xab: {  	_ =	task [dreg:s8], $0x5FFFF  }
0xac: {  	[dreg:$0x1] =	wrdreg $0xFFFFFFFF  }
0xad: {  	[dreg:$0x0] =	wrdreg $0x60  }
0xae: {  	[dreg:$0x2] =	wrdreg s0  }
0xaf: {  	[dreg:$0x3] =	wrdreg s17  }
0xb0: {  	[dreg:$0x4] =	wrdreg s2  }
0xb1: {  	[dreg:$0x5] =	wrdreg s3  }
0xb2: {  	[dreg:$0x6] =	wrdreg $0x9  }
0xb3: {  	_ =	task.clear_ibuf [dreg:s8], $0x7FFFF;
	_ =	strace $0x90000046  }
0xb4: {  	s26 =	simm.s32 $0x9;
	_ =	strace $0x80000048  }
0xb5: {  	_ =	swait.ge [sflag:s26], $0x1  }
0xb6: {  	[sflag:s26] =	ssyncadd.s32 $0xFFFFFFFF  }
0xb7: {  	_ =	strace $0x90000048  }
0xb8: {  	_ =	sfence  }
0xb9: {  	s28 =	sld [smem:$0x0];
	_ =	sdelay $0x1  }
0xba: {  	s29 =	srdreg.scid  }
0xbb: {  	s30 =	sshll.u32 s29, $0xD;
	s31 =	sshrl.u32 s29, $0x2  }
0xbc: {  	s1 =	sand.u32 $0x1, s29;
	s2 =	sand.u32 $0x4000, s30;
	s0 =	sadd.s32 s31, s28  }
0xbd: {  	s1 =	sor.u32 s2, s1;
	s0 =	sshll.u32 s0, $0x11  }
0xbe: {  	s0 =	sor.u32 s0, s1  }
0xbf: {  	s0 =	sadd.s32 $0x8F2B, s0  }
0xc0: {  	[sflag:s0] =	ssyncadd.remote.s32 $0x1  }
0xc1: {  	_ =	sfence.sel $0xFFFF  }
0xc2: {  	[dreg:$0x0] =	wrdreg $0xFFFFFFFF;
	(pc) =	sbr.abs _section_cstart, $3  }
0xc3: {  	[dreg:$0x1] =	wrdreg $0xFFFFFFFF  }
0xc4: {  	_ =	task.clear_ibuf [dreg:s8], $0x2FFFF;
	_ =	strace $0x9FFFFFFF  }
0xc5: {  	(tm) =	ssettm $0x7FFFFFFF  }
tec
execute0_lowered:
.L_overlay_start_1:
0x0: {  	(tag) =	ssettag $0x1  }
0x1: {  	s4 =	rddreg [dreg:$0x0]  }
0x2: {  	s5 =	rddreg [dreg:$0x1]  }
0x3: {  	s6 =	rddreg [dreg:$0x2]  }
0x4: {  	s2 =	rddreg [dreg:$0x3];
	s7 =	simm.s32 $0x0  }
0x5: {  	[smem:$0x7FF] =	sst s7  }
0x6: {  	s0 =	rddreg [dreg:$0x4];
	v0 =	vimm.f32 $3.600000000e+03;
	_ =	strace $0x80000047  }
0x7: {  	(erf) = vrcp.f32 v0;
	_ =	sdelay $0x1  }
0x8: {  	s1 =	stileid.u32  }
0x9: {  	s3 =	sshll.u32 s1, $0x7  }
0xa: {  	s4 =	sadd.s32 s4, s3  }
0xb: {  	[tilespmem:s7], [sflag:$0x1] =	stream.linear.gather [hbm4b:s4+s7], $0x400, $0x38;
	[tilespmem:$0xC80] =	vst v63  }
0xc: {  	s25 =	simm.s32 $0x400;
	s24 =	sadd.s32 s5, s3  }
0xd: {  	[tilespmem:s25], [sflag:$0x2] =	stream.linear.gather [hbm4b:s24+s7], $0x400, $0x38;
	[tilespmem:$0xC80] =	vst v63  }
0xe: {  	s26 =	simm.s32 $0x1;
	s4 =	simm.s32 $0xC00  }
0xf: {  	[tilespmem:s4], [sflag:$0x3] =	stream.linear.gather [hbm4b:s6+s7], $0x80, $0x38;
	v0 =	vpop (erf);
	[tilespmem:$0xC80] =	vst v63  }
0x10: {  	_ =	swait.ge [sflag:s26], $0x400  }
0x11: {  	[sflag:s26] =	ssyncset.done $0x0  }
0x12: {  	s28 =	simm.s32 $0x2;
	[sflag:s26] =	ssyncadd.s32 $0xFFFFFC00  }
0x13: {  	_ =	swait.ge [sflag:s28], $0x400  }
0x14: {  	[sflag:s28] =	ssyncset.done $0x0  }
0x15: {  	s29 =	simm.s32 $0x3;
	[sflag:s28] =	ssyncadd.s32 $0xFFFFFC00  }
0x16: {  	_ =	swait.ge [sflag:s29], $0x80  }
0x17: {  	[sflag:s29] =	ssyncset.done $0x0  }
0x18: {  	s30 =	simm.s32 $0x20;
	[sflag:s29] =	ssyncadd.s32 $0xFFFFFF80  }
0x19: {  	v1 =	vld [tilespmem:s30+$0x10];
	_ =	sdelay $0x3  }
0x1a: {  	v2 =	vld [tilespmem:s30+$0xFFFFFFF0]  }
0x1b: {  	v3 =	vld [tilespmem:s30+$0xFFFFFFE0];
	v1 =	vmul.f32 v1, v0  }
0x1c: {  	v4 =	vld [tilespmem:s30+$0x0]  }
0x1d: {  	v1 =	vtrunc.f32 v1  }
0x1e: {  	v1 =	vcvt.f32.s32 v1  }
0x1f: {  	s31 =	simm.s32 $0x60;
	v2 =	vmul.f32 v2, v0  }
0x20: {  	v6 =	vld [tilespmem:s31+$0xFFFFFFF0];
	v3 =	vmul.f32 v3, v0  }
0x21: {  	v5 =	vld [tilespmem:s31+$0x10];
	v4 =	vmul.f32 v4, v0;
	v2 =	vtrunc.f32 v2  }
0x22: {  	s6 =	simm.s32 $0x420;
	v3 =	vtrunc.f32 v3;
	v2 =	vcvt.f32.s32 v2  }
0x23: {  	v8 =	vld [tilespmem:s6+$0x10];
	v4 =	vtrunc.f32 v4;
	v3 =	vcvt.f32.s32 v3  }
0x24: {  	v4 =	vcvt.f32.s32 v4;
	v7 =	vld.idx.msk [tilespmem:v1+s4+$0x0], $0xffff  }
0x25: {  	v9 =	vld [tilespmem:s31+$0x0];
	v6 =	vmul.f32 v6, v0  }
0x26: {  	v10 =	vld [tilespmem:s31+$0xFFFFFFE0];
	v5 =	vmul.f32 v5, v0  }
0x27: {  	v11 =	vtrunc.f32 v6;
	v6 =	vld [tilespmem:s6+$0xFFFFFFE0]  }
0x28: {  	v5 =	vtrunc.f32 v5;
	v1 =	vld.idx.msk [tilespmem:v2+s4+$0x0], $0xffff  }
0x29: {  	v5 =	vcvt.f32.s32 v5;
	v3 =	vld.idx.msk [tilespmem:v3+s4+$0x0], $0xffff;
	v8 =	vsub.f32 v7, v8  }
0x2a: {  	v12 =	vmul.f32 v9, v0;
	v2 =	vld.idx.msk [tilespmem:v4+s4+$0x0], $0xffff  }
0x2b: {  	v10 =	vmul.f32 v10, v0;
	v7 =	vld [tilespmem:s6+$0xFFFFFFF0];
	v9 =	vmul.f32 v8, v0  }
0x2c: {  	s8 =	simm.s32 $0xA0;
	s5 =	simm.s32 $0x820;
	s7 =	simm.s32 $0x4;
	v4 =	vcvt.f32.s32 v11;
	v11 =	vtrunc.f32 v12;
	v8 =	vld [tilespmem:s6+$0x0]  }
.LBB2_1:
0x2d: {  	v12 =	vld [tilespmem:s8+$0x10];
	s7 =	sadd.s32 $0x4, s7;
	v10 =	vtrunc.f32 v10;
	v11 =	vcvt.f32.s32 v11;
	[tilespmem:s5+$0x10] =	vst v9  }
0x2e: {  	v9 =	vld [tilespmem:s8+$0xFFFFFFF0];
	p0 =	slt.u32 s7, $0x3C;
	v10 =	vcvt.f32.s32 v10  }
0x2f: {  	s6 =	sadd.s32 $0x40, s6;
	v13 =	vld.idx.msk [tilespmem:v5+s4+$0x0], $0xffff;
	v3 =	vsub.f32 v3, v6  }
0x30: {  	v6 =	vld [tilespmem:s6+$0x10];
	v1 =	vsub.f32 v1, v7  }
0x31: {  	v7 =	vld [tilespmem:s8+$0x0];
	v3 =	vmul.f32 v3, v0;
	v2 =	vsub.f32 v2, v8  }
0x32: {  	v8 =	vld [tilespmem:s8+$0xFFFFFFE0];
	v5 =	vmul.f32 v12, v0;
	v12 =	vmul.f32 v1, v0  }
0x33: {  	v9 =	vmul.f32 v9, v0;
	v1 =	vld.idx.msk [tilespmem:v4+s4+$0x0], $0xffff;
	[tilespmem:s5+$0xFFFFFFE0] =	vst v3;
	v4 =	vmul.f32 v2, v0  }
.Ltmp0:
0x34: {  	v2 =	vtrunc.f32 v5;
	v3 =	vld.idx.msk [tilespmem:v10+s4+$0x0], $0xffff;
	[tilespmem:s5+$0xFFFFFFF0] =	vst v12;
	(pc) =	sbr.rel @p0 .LBB2_1-.Ltmp0, $4  }
0x35: {  	v9 =	vtrunc.f32 v9;
	v5 =	vcvt.f32.s32 v2;
	v2 =	vld.idx.msk [tilespmem:v11+s4+$0x0], $0xffff;
	v11 =	vsub.f32 v13, v6;
	[tilespmem:s5+$0x0] =	vst v4  }
0x36: {  	v4 =	vcvt.f32.s32 v9;
	v12 =	vmul.f32 v7, v0;
	v6 =	vld [tilespmem:s6+$0xFFFFFFE0]  }
0x37: {  	v10 =	vmul.f32 v8, v0;
	v7 =	vld [tilespmem:s6+$0xFFFFFFF0];
	v9 =	vmul.f32 v11, v0  }
0x38: {  	s8 =	sadd.s32 $0x40, s8;
	s5 =	sadd.s32 $0x40, s5;
	v11 =	vtrunc.f32 v12;
	v8 =	vld [tilespmem:s6+$0x0]  }
0x39: {  	_ =	sdelay $0x3  }
0x3a: {  	v10 =	vtrunc.f32 v10;
	v11 =	vcvt.f32.s32 v11;
	v5 =	vld.idx.msk [tilespmem:v5+s4+$0x0], $0xffff  }
0x3b: {  	s6 =	sadd.s32 $0x40, s6;
	v4 =	vld.idx.msk [tilespmem:v4+s4+$0x0], $0xffff;
	v10 =	vcvt.f32.s32 v10  }
0x3c: {  	v12 =	vld [tilespmem:s6+$0x10]  }
0x3d: {  	v13 =	vld [tilespmem:s6+$0xFFFFFFE0]  }
0x3e: {  	v56 =	vld [tilespmem:s6+$0xFFFFFFF0]  }
0x3f: {  	v57 =	vld [tilespmem:s6+$0x0]  }
0x40: {  	v3 =	vsub.f32 v3, v6;
	v11 =	vld.idx.msk [tilespmem:v11+s4+$0x0], $0xffff  }
0x41: {  	v1 =	vsub.f32 v1, v7;
	v10 =	vld.idx.msk [tilespmem:v10+s4+$0x0], $0xffff  }
0x42: {  	v2 =	vsub.f32 v2, v8;
	v3 =	vmul.f32 v3, v0  }
0x43: {  	[tilespmem:s5+$0x10] =	vst v9;
	v1 =	vmul.f32 v1, v0;
	v5 =	vsub.f32 v5, v12  }
0x44: {  	[tilespmem:s5+$0xFFFFFFE0] =	vst v3;
	v2 =	vmul.f32 v2, v0;
	v4 =	vsub.f32 v4, v56  }
0x45: {  	[tilespmem:s5+$0xFFFFFFF0] =	vst v1;
	v59 =	vmul.f32 v5, v0;
	v61 =	vsub.f32 v11, v57  }
0x46: {  	s28 =	sadd.s32 $0x40, s5;
	[tilespmem:s5+$0x0] =	vst v2;
	v62 =	vmul.f32 v4, v0;
	v58 =	vsub.f32 v10, v13  }
0x47: {  	[tilespmem:s28+$0x10] =	vst v59;
	v63 =	vmul.f32 v61, v0  }
0x48: {  	[tilespmem:s28+$0xFFFFFFF0] =	vst v62;
	v60 =	vmul.f32 v58, v0  }
0x49: {  	s2 =	sadd.s32 s2, s3;
	[tilespmem:s28+$0x0] =	vst v63  }
0x4a: {  	s29 =	simm.s32 $0x0;
	s30 =	simm.s32 $0x800;
	s31 =	simm.s32 $0x4;
	[tilespmem:s28+$0xFFFFFFE0] =	vst v60  }
0x4b: {  	[hbm4b:s2+s29] =	stream.linear.scatter [tilespmem:s30], [sflag:$0x4], $0x400, $0x38;
	[tilespmem:$0xC80] =	vst v63  }
0x4c: {  	_ =	swait.ge [sflag:s31], $0x400  }
0x4d: {  	[sflag:s31] =	ssyncset.done $0x0  }
0x4e: {  	[sflag:s31] =	ssyncadd.s32 $0xFFFFFC00  }
0x4f: {  	_ =	sfence.sel $0x180000  }
0x50: {  	[bflag:$0x0] =	sbarrier.arrive $0xFFFF  }
0x51: {  	p0 =	sne.s32 s1, $0x0;
	_ =	strace $0x90000047  }
0x52: {  	s0 =	sadd.s32 @!p0 $0x100000, s0;
	[bflag:$0x2] =	sbarrier.arrive $0xFFFF  }
0x53: {  	[sflag:s0] =	ssyncadd.tile.s32 @!p0 $0x1;
	_ =	shalt  }
.Lfunc_end2:
_tile_overlayer_lowered:
.L_overlay_start_2:
0x54: {  	(tag) =	ssettag $0x2  }
0x55: {  	s0 =	rddreg [dreg:$0x0];
	s2 =	stileid.u32  }
0x56: {  	s1 =	rddreg [dreg:$0x1];
	p0 =	sne.s32 s2, $0x0  }
0x57: {  	s3 =	rddreg [dreg:$0x2];
	[bflag:$0x3] =	sbarrier.arrive $0xFFFF;
	s2 =	simm.s32 @!p0 $0x1C04  }
0x58: {  	[timem:s3], [sflag:s2] =	dma.local @!p0 [hbm:s0], s1  }
0x59: {  	s0 =	simm.s32 @!p0 $0x4  }
0x5a: {  	_ =	swait.ge @!p0 [sflag:s0], s1  }
0x5b: {  	s1 =	ssub.s32 @!p0 $0x0, s1;
	[sflag:s0] =	ssyncset.done @!p0 $0x0  }
0x5c: {  	[sflag:s0] =	ssyncadd.s32 @!p0 s1  }
0x5d: {  	[bflag:$0x3] =	sbarrier.arrive $0xFFFF  }
0x5e: {  	_ =	shalt  }

</sc_bundles>
